<compile_context>
chip_gen: v7x
topology: tpu7x:2x2x1
jax: 0.10.2.dev20260603
libtpu: 0.0.44.dev20260713+nightly
codegen_flags: <defaults>
</compile_context>

<pallas_src>
import functools

import jax
import jax.numpy as jnp
from jax import lax
from jax.experimental import pallas as pl
from jax.experimental.pallas import tpu as pltpu
from jax.experimental.pallas import tpu_sc as plsc

_INFO = plsc.get_sparse_core_info()
_NC = _INFO.num_cores
_NS = _INFO.num_subcores
_NW = _NC * _NS

_CHUNK = 128


@functools.partial(jax.jit, static_argnames=())
def _gather_rows(idx_grouped, table):
    nw, nchunk, chunk = idx_grouped.shape
    n_rows = nw * nchunk * chunk
    d = table.shape[1]
    npair = nchunk // 2
    assert nchunk % 2 == 0

    mesh = plsc.VectorSubcoreMesh(core_axis_name="c", subcore_axis_name="s")

    @functools.partial(
        pl.kernel,
        mesh=mesh,
        out_type=jax.ShapeDtypeStruct((n_rows, d), jnp.float32),
        scratch_types=(
            [pltpu.VMEM((nchunk, chunk), jnp.int32)]
            + [pltpu.VMEM((chunk, d), jnp.float32)] * 4
            + [pltpu.MemorySpace.VMEM_SHARED((_NS, 2, chunk, d), jnp.float32)]
            + [pltpu.SemaphoreType.DMA] * 12
        ),
    )
    def k(idx_hbm, table_hbm, out_hbm, idx_v, b0, b1, b2, b3, shared, *sems):
        rows = (b0, b1, b2, b3)
        gsem = sems[0:4]
        psem = sems[4:8]
        dsem = sems[8:12]
        sid = lax.axis_index("s")
        wid = sid * _NC + lax.axis_index("c")
        base = wid * (nchunk * chunk)
        pltpu.sync_copy(idx_hbm.at[wid], idx_v)

        def gcopy(c, u):
            return pltpu.make_async_copy(
                table_hbm.at[idx_v.at[c]], rows[u], gsem[u])

        def pcopy(u, sp):
            return pltpu.make_async_copy(rows[u], shared.at[sid, sp], psem[sp])

        def dcopy(c, sp):
            return pltpu.make_async_copy(
                shared.at[sid, sp],
                out_hbm.at[pl.ds(base + c * chunk, chunk)], dsem[sp])

        for c in range(4):
            gcopy(c, c).start()

        def body(i2, carry):
            for k_ in range(2):
                p = 2 * i2 + k_
                u0, u1 = (0, 1) if k_ == 0 else (2, 3)

                s0, s1 = 0, 1

                @pl.when(p < npair)
                def _():
                    c = 2 * p
                    @pl.when(p >= 1)
                    def _():
                        dcopy(2 * (p - 1), s0).wait()
                        dcopy(2 * (p - 1) + 1, s1).wait()

                    gcopy(c, u0).wait()
                    pcopy(u0, s0).start()
                    gcopy(c + 1, u1).wait()
                    pcopy(u1, s1).start()
                    pcopy(u0, s0).wait()
                    dcopy(c, s0).start()
                    pcopy(u1, s1).wait()
                    dcopy(c + 1, s1).start()

                    pg = p + 2
                    @pl.when(pg < npair)
                    def _():
                        gcopy(2 * pg, u0).start()
                        gcopy(2 * pg + 1, u1).start()

            return carry

        lax.fori_loop(0, (npair + 1) // 2, body, 0)
        dcopy(2 * (npair - 1), 0).wait()
        dcopy(2 * (npair - 1) + 1, 1).wait()

    return k(idx_grouped, table)


def kernel(indices, table):
    b, l = indices.shape
    d = table.shape[1]
    n = b * l
    rows_per_w = n // _NW
    nchunk = rows_per_w // _CHUNK
    assert rows_per_w % _CHUNK == 0 and n % _NW == 0

    idx_t = jnp.transpose(indices.astype(jnp.int32), (1, 0))
    idx_grouped = idx_t.reshape(_NW, nchunk, _CHUNK)
    out_flat = _gather_rows(idx_grouped, table)
    return out_flat.reshape(l, b, d)

# --- scband reference (transcript-rebuilt; emitter-appended) ---
"""Pipeline reference for scband-state-encoder-10823317586389 (READ-ONLY COPY).

The authoritative reference and input builder live on the scoring server;
editing this copy changes nothing except your own understanding.
"""

import jax, jax.numpy as jnp
import numpy as np

B = 1024
L = 200
N_RULES = 100000
D_MODEL = 128


def setup_inputs(seed: int = 0) -> dict:
    key = jax.random.key(seed)
    k1, k2 = jax.random.split(key)
    # Padded batch of rule indices (rule2idx already applied, PAD=0 implied)
    indices = jax.random.randint(k1, (B, L), 0, N_RULES, dtype=jnp.int64)
    # Learned rule embedding table (nn.Embedding weight)
    table = jax.random.normal(k2, (N_RULES, D_MODEL), dtype=jnp.float32)
    return {"indices": indices, "table": table}


def reference(indices, table):
    # states_encoded = self.rule_embedding(state) for each state, pad_sequence(batch_first=True)
    emb = jnp.take(table, indices, axis=0)  # [B, L, d_model]
    # states_encoded.transpose(0, 1) -> [L, B, d_model]
    return jnp.transpose(emb, (1, 0, 2))

if __name__ == "__main__":
    import jax
    _d = setup_inputs()
    print(jax.jit(kernel)(*tuple(_d.values())))

</pallas_src>

<mosaic_0001>
#map = affine_map<(d0, d1) -> (0, 0, 0)>
#map1 = affine_map<(d0, d1) -> (0, 0)>
module attributes {stable_mosaic.version = 14 : i64} {
  func.func @k(%arg0: i32, %arg1: i32, %arg2: memref<32x50x128xi32, #tpu.memory_space<hbm>>, %arg3: memref<100000x128xf32, #tpu.memory_space<hbm>>, %arg4: memref<204800x128xf32, #tpu.memory_space<hbm>>, %arg5: memref<50x128xi32, #tpu.memory_space<vmem>>, %arg6: memref<128x128xf32, #tpu.memory_space<vmem>>, %arg7: memref<128x128xf32, #tpu.memory_space<vmem>>, %arg8: memref<128x128xf32, #tpu.memory_space<vmem>>, %arg9: memref<128x128xf32, #tpu.memory_space<vmem>>, %arg10: memref<16x2x128x128xf32, #tpu.memory_space<vmem_shared>>, %arg11: memref<!tpu.dma_semaphore, #tpu.memory_space<semaphore_mem>>, %arg12: memref<!tpu.dma_semaphore, #tpu.memory_space<semaphore_mem>>, %arg13: memref<!tpu.dma_semaphore, #tpu.memory_space<semaphore_mem>>, %arg14: memref<!tpu.dma_semaphore, #tpu.memory_space<semaphore_mem>>, %arg15: memref<!tpu.dma_semaphore, #tpu.memory_space<semaphore_mem>>, %arg16: memref<!tpu.dma_semaphore, #tpu.memory_space<semaphore_mem>>, %arg17: memref<!tpu.dma_semaphore, #tpu.memory_space<semaphore_mem>>, %arg18: memref<!tpu.dma_semaphore, #tpu.memory_space<semaphore_mem>>, %arg19: memref<!tpu.dma_semaphore, #tpu.memory_space<semaphore_mem>>, %arg20: memref<!tpu.dma_semaphore, #tpu.memory_space<semaphore_mem>>, %arg21: memref<!tpu.dma_semaphore, #tpu.memory_space<semaphore_mem>>, %arg22: memref<!tpu.dma_semaphore, #tpu.memory_space<semaphore_mem>>) attributes {dimension_semantics = [#tpu.dimension_semantics<core_parallel>, #tpu.dimension_semantics<subcore_parallel>], iteration_bounds = array<i64: 2, 16>, scalar_prefetch = 0 : i64, scratch_operands = 18 : i64, tpu.core_type = #tpu.core_type<sc_vector_subcore>, window_params = [{transform_indices = #map}, {transform_indices = #map1}, {transform_indices = #map1}]} {
    %mul3A = arith.constant 2 : i32
    %mul3A_0 = arith.muli %arg1, %mul3A : i32
    %add3A = arith.addi %mul3A_0, %arg0 : i32
    %mul3A_1 = arith.constant 6400 : i32
    %mul3A_2 = arith.muli %add3A, %mul3A_1 : i32
    "tpu.region"() ({
      %run_scoped3A = tpu.sem_alloc : memref<!tpu.dma_semaphore, #tpu.memory_space<semaphore_mem>>
      %dma_start3A_52 = arith.constant 0 : i32
      %dma_start3A_53 = arith.constant 0 : i32
      %dma_start3A_54 = tpu.memref_slice %arg2[%add3A, %dma_start3A_52, %dma_start3A_53] : memref<32x50x128xi32, #tpu.memory_space<hbm>> -> memref<1x50x128xi32, #tpu.memory_space<hbm>>
      %dma_start3A_55 = tpu.memref_squeeze %dma_start3A_54 : memref<1x50x128xi32, #tpu.memory_space<hbm>> -> memref<50x128xi32, #tpu.memory_space<hbm>>
      %dma_start3A_56 = arith.constant 0 : i32
      %dma_start3A_57 = arith.constant 0 : i32
      %dma_start3A_58 = tpu.memref_slice %arg2[%add3A, %dma_start3A_56, %dma_start3A_57] : memref<32x50x128xi32, #tpu.memory_space<hbm>> -> memref<1x50x128xi32, #tpu.memory_space<hbm>>
      %dma_start3A_59 = tpu.memref_squeeze %dma_start3A_58 : memref<1x50x128xi32, #tpu.memory_space<hbm>> -> memref<50x128xi32, #tpu.memory_space<hbm>>
      tpu.enqueue_dma source(%dma_start3A_59 : memref<50x128xi32, #tpu.memory_space<hbm>>) target(%arg5 : memref<50x128xi32, #tpu.memory_space<vmem>>) target_semaphore(%run_scoped3A : memref<!tpu.dma_semaphore, #tpu.memory_space<semaphore_mem>>)
      %dma_wait3A_60 = arith.constant 0 : i32
      %dma_wait3A_61 = arith.constant 0 : i32
      %dma_wait3A_62 = tpu.memref_slice %arg2[%add3A, %dma_wait3A_60, %dma_wait3A_61] : memref<32x50x128xi32, #tpu.memory_space<hbm>> -> memref<1x50x128xi32, #tpu.memory_space<hbm>>
      %dma_wait3A_63 = tpu.memref_squeeze %dma_wait3A_62 : memref<1x50x128xi32, #tpu.memory_space<hbm>> -> memref<50x128xi32, #tpu.memory_space<hbm>>
      %dma_wait3A_64 = arith.constant 0 : i32
      %dma_wait3A_65 = arith.constant 0 : i32
      %dma_wait3A_66 = tpu.memref_slice %arg2[%add3A, %dma_wait3A_64, %dma_wait3A_65] : memref<32x50x128xi32, #tpu.memory_space<hbm>> -> memref<1x50x128xi32, #tpu.memory_space<hbm>>
      %dma_wait3A_67 = tpu.memref_squeeze %dma_wait3A_66 : memref<1x50x128xi32, #tpu.memory_space<hbm>> -> memref<50x128xi32, #tpu.memory_space<hbm>>
      tpu.wait_dma2 semaphore(%run_scoped3A : memref<!tpu.dma_semaphore, #tpu.memory_space<semaphore_mem>>) src(%dma_wait3A_67 : memref<50x128xi32, #tpu.memory_space<hbm>>) dst(%arg5 : memref<50x128xi32, #tpu.memory_space<vmem>>)
      tpu.yield
    }) : () -> ()
    %dma_start3A = arith.constant 0 : i32
    %dma_start3A_3 = arith.constant 0 : i32
    %dma_start3A_4 = tpu.memref_slice %arg5[%dma_start3A, %dma_start3A_3] : memref<50x128xi32, #tpu.memory_space<vmem>> -> memref<1x128xi32, #tpu.memory_space<vmem>>
    %dma_start3A_5 = tpu.memref_squeeze %dma_start3A_4 : memref<1x128xi32, #tpu.memory_space<vmem>> -> memref<128xi32, #tpu.memory_space<vmem>>
    %dma_start3A_6 = arith.constant 0 : i32
    %dma_start3A_7 = arith.constant 0 : i32
    %dma_start3A_8 = tpu.memref_slice %arg3[%dma_start3A_6, %dma_start3A_7] : memref<100000x128xf32, #tpu.memory_space<hbm>> -> memref<100000x128xf32, #tpu.memory_space<hbm>>
    tpu.enqueue_indirect_dma source(%dma_start3A_8 : memref<100000x128xf32, #tpu.memory_space<hbm>>) target(%arg6 : memref<128x128xf32, #tpu.memory_space<vmem>>) offsets(%dma_start3A_5 : memref<128xi32, #tpu.memory_space<vmem>>) semaphore(%arg11 : memref<!tpu.dma_semaphore, #tpu.memory_space<semaphore_mem>>)
    %dma_start3A_9 = arith.constant 1 : i32
    %dma_start3A_10 = arith.constant 0 : i32
    %dma_start3A_11 = tpu.memref_slice %arg5[%dma_start3A_9, %dma_start3A_10] : memref<50x128xi32, #tpu.memory_space<vmem>> -> memref<1x128xi32, #tpu.memory_space<vmem>>
    %dma_start3A_12 = tpu.memref_squeeze %dma_start3A_11 : memref<1x128xi32, #tpu.memory_space<vmem>> -> memref<128xi32, #tpu.memory_space<vmem>>
    %dma_start3A_13 = arith.constant 0 : i32
    %dma_start3A_14 = arith.constant 0 : i32
    %dma_start3A_15 = tpu.memref_slice %arg3[%dma_start3A_13, %dma_start3A_14] : memref<100000x128xf32, #tpu.memory_space<hbm>> -> memref<100000x128xf32, #tpu.memory_space<hbm>>
    tpu.enqueue_indirect_dma source(%dma_start3A_15 : memref<100000x128xf32, #tpu.memory_space<hbm>>) target(%arg7 : memref<128x128xf32, #tpu.memory_space<vmem>>) offsets(%dma_start3A_12 : memref<128xi32, #tpu.memory_space<vmem>>) semaphore(%arg12 : memref<!tpu.dma_semaphore, #tpu.memory_space<semaphore_mem>>)
    %dma_start3A_16 = arith.constant 2 : i32
    %dma_start3A_17 = arith.constant 0 : i32
    %dma_start3A_18 = tpu.memref_slice %arg5[%dma_start3A_16, %dma_start3A_17] : memref<50x128xi32, #tpu.memory_space<vmem>> -> memref<1x128xi32, #tpu.memory_space<vmem>>
    %dma_start3A_19 = tpu.memref_squeeze %dma_start3A_18 : memref<1x128xi32, #tpu.memory_space<vmem>> -> memref<128xi32, #tpu.memory_space<vmem>>
    %dma_start3A_20 = arith.constant 0 : i32
    %dma_start3A_21 = arith.constant 0 : i32
    %dma_start3A_22 = tpu.memref_slice %arg3[%dma_start3A_20, %dma_start3A_21] : memref<100000x128xf32, #tpu.memory_space<hbm>> -> memref<100000x128xf32, #tpu.memory_space<hbm>>
    tpu.enqueue_indirect_dma source(%dma_start3A_22 : memref<100000x128xf32, #tpu.memory_space<hbm>>) target(%arg8 : memref<128x128xf32, #tpu.memory_space<vmem>>) offsets(%dma_start3A_19 : memref<128xi32, #tpu.memory_space<vmem>>) semaphore(%arg13 : memref<!tpu.dma_semaphore, #tpu.memory_space<semaphore_mem>>)
    %dma_start3A_23 = arith.constant 3 : i32
    %dma_start3A_24 = arith.constant 0 : i32
    %dma_start3A_25 = tpu.memref_slice %arg5[%dma_start3A_23, %dma_start3A_24] : memref<50x128xi32, #tpu.memory_space<vmem>> -> memref<1x128xi32, #tpu.memory_space<vmem>>
    %dma_start3A_26 = tpu.memref_squeeze %dma_start3A_25 : memref<1x128xi32, #tpu.memory_space<vmem>> -> memref<128xi32, #tpu.memory_space<vmem>>
    %dma_start3A_27 = arith.constant 0 : i32
    %dma_start3A_28 = arith.constant 0 : i32
    %dma_start3A_29 = tpu.memref_slice %arg3[%dma_start3A_27, %dma_start3A_28] : memref<100000x128xf32, #tpu.memory_space<hbm>> -> memref<100000x128xf32, #tpu.memory_space<hbm>>
    tpu.enqueue_indirect_dma source(%dma_start3A_29 : memref<100000x128xf32, #tpu.memory_space<hbm>>) target(%arg9 : memref<128x128xf32, #tpu.memory_space<vmem>>) offsets(%dma_start3A_26 : memref<128xi32, #tpu.memory_space<vmem>>) semaphore(%arg14 : memref<!tpu.dma_semaphore, #tpu.memory_space<semaphore_mem>>)
    %scan3A = arith.constant 0 : i32
    %scan3A_30 = arith.constant 0 : i32
    %scan3A_31 = arith.constant 13 : i32
    %scan3A_32 = arith.addi %scan3A_30, %scan3A_31 : i32
    %scan3A_33 = arith.constant 1 : i32
    scf.for %scan3A_52 = %scan3A_30 to %scan3A_32 step %scan3A_33  : i32 {
      %mul3A_53 = arith.constant 2 : i32
      %mul3A_54 = arith.muli %mul3A_53, %scan3A_52 : i32
      %add3A_55 = arith.constant 0 : i32
      %add3A_56 = arith.addi %mul3A_54, %add3A_55 : i32
      %lt3A = arith.constant 25 : i32
      %lt3A_57 = arith.cmpi slt, %add3A_56, %lt3A : i32
      %convert_element_type3A = arith.extui %lt3A_57 : i1 to i32
      %cond3A = arith.constant 0 : i32
      %cond3A_58 = arith.cmpi ne, %convert_element_type3A, %cond3A : i32
      scf.if %cond3A_58 {
        %mul3A_68 = arith.constant 2 : i32
        %mul3A_69 = arith.muli %mul3A_68, %add3A_56 : i32
        %ge3A = arith.constant 1 : i32
        %ge3A_70 = arith.cmpi sge, %add3A_56, %ge3A : i32
        %convert_element_type3A_71 = arith.extui %ge3A_70 : i1 to i32
        %cond3A_72 = arith.constant 0 : i32
        %cond3A_73 = arith.cmpi ne, %convert_element_type3A_71, %cond3A_72 : i32
        scf.if %cond3A_73 {
          %sub3A = arith.constant 1 : i32
          %sub3A_153 = arith.subi %add3A_56, %sub3A : i32
          %mul3A_154 = arith.constant 2 : i32
          %mul3A_155 = arith.muli %mul3A_154, %sub3A_153 : i32
          %mul3A_156 = arith.constant 128 : i32
          %mul3A_157 = arith.muli %mul3A_155, %mul3A_156 : i32
          %add3A_158 = arith.addi %mul3A_2, %mul3A_157 : i32
          %dma_wait3A_159 = arith.constant 0 : i32
          %dma_wait3A_160 = arith.constant 0 : i32
          %dma_wait3A_161 = tpu.memref_slice %arg4[%add3A_158, %dma_wait3A_160] : memref<204800x128xf32, #tpu.memory_space<hbm>> -> memref<128x128xf32, #tpu.memory_space<hbm>>
          %dma_wait3A_162 = arith.constant 0 : i32
          %dma_wait3A_163 = arith.constant 0 : i32
          %dma_wait3A_164 = tpu.memref_slice %arg10[%arg1, %dma_wait3A_159, %dma_wait3A_162, %dma_wait3A_163] : memref<16x2x128x128xf32, #tpu.memory_space<vmem_shared>> -> memref<1x1x128x128xf32, #tpu.memory_space<vmem_shared>>
          %dma_wait3A_165 = tpu.memref_squeeze %dma_wait3A_164 : memref<1x1x128x128xf32, #tpu.memory_space<vmem_shared>> -> memref<128x128xf32, #tpu.memory_space<vmem_shared>>
          tpu.wait_dma2 semaphore(%arg19 : memref<!tpu.dma_semaphore, #tpu.memory_space<semaphore_mem>>) src(%dma_wait3A_165 : memref<128x128xf32, #tpu.memory_space<vmem_shared>>) dst(%dma_wait3A_161 : memref<128x128xf32, #tpu.memory_space<hbm>>)
          %sub3A_166 = arith.constant 1 : i32
          %sub3A_167 = arith.subi %add3A_56, %sub3A_166 : i32
          %mul3A_168 = arith.constant 2 : i32
          %mul3A_169 = arith.muli %mul3A_168, %sub3A_167 : i32
          %add3A_170 = arith.constant 1 : i32
          %add3A_171 = arith.addi %mul3A_169, %add3A_170 : i32
          %mul3A_172 = arith.constant 128 : i32
          %mul3A_173 = arith.muli %add3A_171, %mul3A_172 : i32
          %add3A_174 = arith.addi %mul3A_2, %mul3A_173 : i32
          %dma_wait3A_175 = arith.constant 1 : i32
          %dma_wait3A_176 = arith.constant 0 : i32
          %dma_wait3A_177 = tpu.memref_slice %arg4[%add3A_174, %dma_wait3A_176] : memref<204800x128xf32, #tpu.memory_space<hbm>> -> memref<128x128xf32, #tpu.memory_space<hbm>>
          %dma_wait3A_178 = arith.constant 0 : i32
          %dma_wait3A_179 = arith.constant 0 : i32
          %dma_wait3A_180 = tpu.memref_slice %arg10[%arg1, %dma_wait3A_175, %dma_wait3A_178, %dma_wait3A_179] : memref<16x2x128x128xf32, #tpu.memory_space<vmem_shared>> -> memref<1x1x128x128xf32, #tpu.memory_space<vmem_shared>>
          %dma_wait3A_181 = tpu.memref_squeeze %dma_wait3A_180 : memref<1x1x128x128xf32, #tpu.memory_space<vmem_shared>> -> memref<128x128xf32, #tpu.memory_space<vmem_shared>>
          tpu.wait_dma2 semaphore(%arg20 : memref<!tpu.dma_semaphore, #tpu.memory_space<semaphore_mem>>) src(%dma_wait3A_181 : memref<128x128xf32, #tpu.memory_space<vmem_shared>>) dst(%dma_wait3A_177 : memref<128x128xf32, #tpu.memory_space<hbm>>)
        } else {
        }
        %dma_wait3A_74 = arith.constant 0 : i32
        %dma_wait3A_75 = tpu.memref_slice %arg5[%mul3A_69, %dma_wait3A_74] : memref<50x128xi32, #tpu.memory_space<vmem>> -> memref<1x128xi32, #tpu.memory_space<vmem>>
        %dma_wait3A_76 = tpu.memref_squeeze %dma_wait3A_75 : memref<1x128xi32, #tpu.memory_space<vmem>> -> memref<128xi32, #tpu.memory_space<vmem>>
        %dma_wait3A_77 = arith.constant 0 : i32
        %dma_wait3A_78 = arith.constant 0 : i32
        %dma_wait3A_79 = tpu.memref_slice %arg3[%dma_wait3A_77, %dma_wait3A_78] : memref<100000x128xf32, #tpu.memory_space<hbm>> -> memref<100000x128xf32, #tpu.memory_space<hbm>>
        tpu.wait_indirect_dma semaphore(%arg11 : memref<!tpu.dma_semaphore, #tpu.memory_space<semaphore_mem>>) src(%dma_wait3A_79 : memref<100000x128xf32, #tpu.memory_space<hbm>>) dst(%arg6 : memref<128x128xf32, #tpu.memory_space<vmem>>)
        %dma_start3A_80 = arith.constant 0 : i32
        %dma_start3A_81 = arith.constant 0 : i32
        %dma_start3A_82 = arith.constant 0 : i32
        %dma_start3A_83 = tpu.memref_slice %arg10[%arg1, %dma_start3A_80, %dma_start3A_81, %dma_start3A_82] : memref<16x2x128x128xf32, #tpu.memory_space<vmem_shared>> -> memref<1x1x128x128xf32, #tpu.memory_space<vmem_shared>>
        %dma_start3A_84 = tpu.memref_squeeze %dma_start3A_83 : memref<1x1x128x128xf32, #tpu.memory_space<vmem_shared>> -> memref<128x128xf32, #tpu.memory_space<vmem_shared>>
        %dma_start3A_85 = arith.constant 0 : i32
        %dma_start3A_86 = arith.constant 0 : i32
        %dma_start3A_87 = tpu.memref_slice %arg10[%arg1, %dma_start3A_80, %dma_start3A_85, %dma_start3A_86] : memref<16x2x128x128xf32, #tpu.memory_space<vmem_shared>> -> memref<1x1x128x128xf32, #tpu.memory_space<vmem_shared>>
        %dma_start3A_88 = tpu.memref_squeeze %dma_start3A_87 : memref<1x1x128x128xf32, #tpu.memory_space<vmem_shared>> -> memref<128x128xf32, #tpu.memory_space<vmem_shared>>
        tpu.enqueue_dma source(%arg6 : memref<128x128xf32, #tpu.memory_space<vmem>>) target(%dma_start3A_88 : memref<128x128xf32, #tpu.memory_space<vmem_shared>>) target_semaphore(%arg15 : memref<!tpu.dma_semaphore, #tpu.memory_space<semaphore_mem>>)
        %add3A_89 = arith.constant 1 : i32
        %add3A_90 = arith.addi %mul3A_69, %add3A_89 : i32
        %dma_wait3A_91 = arith.constant 0 : i32
        %dma_wait3A_92 = tpu.memref_slice %arg5[%add3A_90, %dma_wait3A_91] : memref<50x128xi32, #tpu.memory_space<vmem>> -> memref<1x128xi32, #tpu.memory_space<vmem>>
        %dma_wait3A_93 = tpu.memref_squeeze %dma_wait3A_92 : memref<1x128xi32, #tpu.memory_space<vmem>> -> memref<128xi32, #tpu.memory_space<vmem>>
        %dma_wait3A_94 = arith.constant 0 : i32
        %dma_wait3A_95 = arith.constant 0 : i32
        %dma_wait3A_96 = tpu.memref_slice %arg3[%dma_wait3A_94, %dma_wait3A_95] : memref<100000x128xf32, #tpu.memory_space<hbm>> -> memref<100000x128xf32, #tpu.memory_space<hbm>>
        tpu.wait_indirect_dma semaphore(%arg12 : memref<!tpu.dma_semaphore, #tpu.memory_space<semaphore_mem>>) src(%dma_wait3A_96 : memref<100000x128xf32, #tpu.memory_space<hbm>>) dst(%arg7 : memref<128x128xf32, #tpu.memory_space<vmem>>)
        %dma_start3A_97 = arith.constant 1 : i32
        %dma_start3A_98 = arith.constant 0 : i32
        %dma_start3A_99 = arith.constant 0 : i32
        %dma_start3A_100 = tpu.memref_slice %arg10[%arg1, %dma_start3A_97, %dma_start3A_98, %dma_start3A_99] : memref<16x2x128x128xf32, #tpu.memory_space<vmem_shared>> -> memref<1x1x128x128xf32, #tpu.memory_space<vmem_shared>>
        %dma_start3A_101 = tpu.memref_squeeze %dma_start3A_100 : memref<1x1x128x128xf32, #tpu.memory_space<vmem_shared>> -> memref<128x128xf32, #tpu.memory_space<vmem_shared>>
        %dma_start3A_102 = arith.constant 0 : i32
        %dma_start3A_103 = arith.constant 0 : i32
        %dma_start3A_104 = tpu.memref_slice %arg10[%arg1, %dma_start3A_97, %dma_start3A_102, %dma_start3A_103] : memref<16x2x128x128xf32, #tpu.memory_space<vmem_shared>> -> memref<1x1x128x128xf32, #tpu.memory_space<vmem_shared>>
        %dma_start3A_105 = tpu.memref_squeeze %dma_start3A_104 : memref<1x1x128x128xf32, #tpu.memory_space<vmem_shared>> -> memref<128x128xf32, #tpu.memory_space<vmem_shared>>
        tpu.enqueue_dma source(%arg7 : memref<128x128xf32, #tpu.memory_space<vmem>>) target(%dma_start3A_105 : memref<128x128xf32, #tpu.memory_space<vmem_shared>>) target_semaphore(%arg16 : memref<!tpu.dma_semaphore, #tpu.memory_space<semaphore_mem>>)
        %dma_wait3A_106 = arith.constant 0 : i32
        %dma_wait3A_107 = arith.constant 0 : i32
        %dma_wait3A_108 = arith.constant 0 : i32
        %dma_wait3A_109 = tpu.memref_slice %arg10[%arg1, %dma_wait3A_106, %dma_wait3A_107, %dma_wait3A_108] : memref<16x2x128x128xf32, #tpu.memory_space<vmem_shared>> -> memref<1x1x128x128xf32, #tpu.memory_space<vmem_shared>>
        %dma_wait3A_110 = tpu.memref_squeeze %dma_wait3A_109 : memref<1x1x128x128xf32, #tpu.memory_space<vmem_shared>> -> memref<128x128xf32, #tpu.memory_space<vmem_shared>>
        %dma_wait3A_111 = arith.constant 0 : i32
        %dma_wait3A_112 = arith.constant 0 : i32
        %dma_wait3A_113 = tpu.memref_slice %arg10[%arg1, %dma_wait3A_106, %dma_wait3A_111, %dma_wait3A_112] : memref<16x2x128x128xf32, #tpu.memory_space<vmem_shared>> -> memref<1x1x128x128xf32, #tpu.memory_space<vmem_shared>>
        %dma_wait3A_114 = tpu.memref_squeeze %dma_wait3A_113 : memref<1x1x128x128xf32, #tpu.memory_space<vmem_shared>> -> memref<128x128xf32, #tpu.memory_space<vmem_shared>>
        tpu.wait_dma2 semaphore(%arg15 : memref<!tpu.dma_semaphore, #tpu.memory_space<semaphore_mem>>) src(%arg6 : memref<128x128xf32, #tpu.memory_space<vmem>>) dst(%dma_wait3A_114 : memref<128x128xf32, #tpu.memory_space<vmem_shared>>)
        %mul3A_115 = arith.constant 128 : i32
        %mul3A_116 = arith.muli %mul3A_69, %mul3A_115 : i32
        %add3A_117 = arith.addi %mul3A_2, %mul3A_116 : i32
        %dma_start3A_118 = arith.constant 0 : i32
        %dma_start3A_119 = arith.constant 0 : i32
        %dma_start3A_120 = tpu.memref_slice %arg4[%add3A_117, %dma_start3A_119] : memref<204800x128xf32, #tpu.memory_space<hbm>> -> memref<128x128xf32, #tpu.memory_space<hbm>>
        %dma_start3A_121 = arith.constant 0 : i32
        %dma_start3A_122 = arith.constant 0 : i32
        %dma_start3A_123 = tpu.memref_slice %arg10[%arg1, %dma_start3A_118, %dma_start3A_121, %dma_start3A_122] : memref<16x2x128x128xf32, #tpu.memory_space<vmem_shared>> -> memref<1x1x128x128xf32, #tpu.memory_space<vmem_shared>>
        %dma_start3A_124 = tpu.memref_squeeze %dma_start3A_123 : memref<1x1x128x128xf32, #tpu.memory_space<vmem_shared>> -> memref<128x128xf32, #tpu.memory_space<vmem_shared>>
        tpu.enqueue_dma source(%dma_start3A_124 : memref<128x128xf32, #tpu.memory_space<vmem_shared>>) target(%dma_start3A_120 : memref<128x128xf32, #tpu.memory_space<hbm>>) target_semaphore(%arg19 : memref<!tpu.dma_semaphore, #tpu.memory_space<semaphore_mem>>)
        %dma_wait3A_125 = arith.constant 1 : i32
        %dma_wait3A_126 = arith.constant 0 : i32
        %dma_wait3A_127 = arith.constant 0 : i32
        %dma_wait3A_128 = tpu.memref_slice %arg10[%arg1, %dma_wait3A_125, %dma_wait3A_126, %dma_wait3A_127] : memref<16x2x128x128xf32, #tpu.memory_space<vmem_shared>> -> memref<1x1x128x128xf32, #tpu.memory_space<vmem_shared>>
        %dma_wait3A_129 = tpu.memref_squeeze %dma_wait3A_128 : memref<1x1x128x128xf32, #tpu.memory_space<vmem_shared>> -> memref<128x128xf32, #tpu.memory_space<vmem_shared>>
        %dma_wait3A_130 = arith.constant 0 : i32
        %dma_wait3A_131 = arith.constant 0 : i32
        %dma_wait3A_132 = tpu.memref_slice %arg10[%arg1, %dma_wait3A_125, %dma_wait3A_130, %dma_wait3A_131] : memref<16x2x128x128xf32, #tpu.memory_space<vmem_shared>> -> memref<1x1x128x128xf32, #tpu.memory_space<vmem_shared>>
        %dma_wait3A_133 = tpu.memref_squeeze %dma_wait3A_132 : memref<1x1x128x128xf32, #tpu.memory_space<vmem_shared>> -> memref<128x128xf32, #tpu.memory_space<vmem_shared>>
        tpu.wait_dma2 semaphore(%arg16 : memref<!tpu.dma_semaphore, #tpu.memory_space<semaphore_mem>>) src(%arg7 : memref<128x128xf32, #tpu.memory_space<vmem>>) dst(%dma_wait3A_133 : memref<128x128xf32, #tpu.memory_space<vmem_shared>>)
        %add3A_134 = arith.constant 1 : i32
        %add3A_135 = arith.addi %mul3A_69, %add3A_134 : i32
        %mul3A_136 = arith.constant 128 : i32
        %mul3A_137 = arith.muli %add3A_135, %mul3A_136 : i32
        %add3A_138 = arith.addi %mul3A_2, %mul3A_137 : i32
        %dma_start3A_139 = arith.constant 1 : i32
        %dma_start3A_140 = arith.constant 0 : i32
        %dma_start3A_141 = tpu.memref_slice %arg4[%add3A_138, %dma_start3A_140] : memref<204800x128xf32, #tpu.memory_space<hbm>> -> memref<128x128xf32, #tpu.memory_space<hbm>>
        %dma_start3A_142 = arith.constant 0 : i32
        %dma_start3A_143 = arith.constant 0 : i32
        %dma_start3A_144 = tpu.memref_slice %arg10[%arg1, %dma_start3A_139, %dma_start3A_142, %dma_start3A_143] : memref<16x2x128x128xf32, #tpu.memory_space<vmem_shared>> -> memref<1x1x128x128xf32, #tpu.memory_space<vmem_shared>>
        %dma_start3A_145 = tpu.memref_squeeze %dma_start3A_144 : memref<1x1x128x128xf32, #tpu.memory_space<vmem_shared>> -> memref<128x128xf32, #tpu.memory_space<vmem_shared>>
        tpu.enqueue_dma source(%dma_start3A_145 : memref<128x128xf32, #tpu.memory_space<vmem_shared>>) target(%dma_start3A_141 : memref<128x128xf32, #tpu.memory_space<hbm>>) target_semaphore(%arg20 : memref<!tpu.dma_semaphore, #tpu.memory_space<semaphore_mem>>)
        %add3A_146 = arith.constant 2 : i32
        %add3A_147 = arith.addi %add3A_56, %add3A_146 : i32
        %lt3A_148 = arith.constant 25 : i32
        %lt3A_149 = arith.cmpi slt, %add3A_147, %lt3A_148 : i32
        %convert_element_type3A_150 = arith.extui %lt3A_149 : i1 to i32
        %cond3A_151 = arith.constant 0 : i32
        %cond3A_152 = arith.cmpi ne, %convert_element_type3A_150, %cond3A_151 : i32
        scf.if %cond3A_152 {
          %mul3A_153 = arith.constant 2 : i32
          %mul3A_154 = arith.muli %mul3A_153, %add3A_147 : i32
          %dma_start3A_155 = arith.constant 0 : i32
          %dma_start3A_156 = tpu.memref_slice %arg5[%mul3A_154, %dma_start3A_155] : memref<50x128xi32, #tpu.memory_space<vmem>> -> memref<1x128xi32, #tpu.memory_space<vmem>>
          %dma_start3A_157 = tpu.memref_squeeze %dma_start3A_156 : memref<1x128xi32, #tpu.memory_space<vmem>> -> memref<128xi32, #tpu.memory_space<vmem>>
          %dma_start3A_158 = arith.constant 0 : i32
          %dma_start3A_159 = arith.constant 0 : i32
          %dma_start3A_160 = tpu.memref_slice %arg3[%dma_start3A_158, %dma_start3A_159] : memref<100000x128xf32, #tpu.memory_space<hbm>> -> memref<100000x128xf32, #tpu.memory_space<hbm>>
          tpu.enqueue_indirect_dma source(%dma_start3A_160 : memref<100000x128xf32, #tpu.memory_space<hbm>>) target(%arg6 : memref<128x128xf32, #tpu.memory_space<vmem>>) offsets(%dma_start3A_157 : memref<128xi32, #tpu.memory_space<vmem>>) semaphore(%arg11 : memref<!tpu.dma_semaphore, #tpu.memory_space<semaphore_mem>>)
          %mul3A_161 = arith.constant 2 : i32
          %mul3A_162 = arith.muli %mul3A_161, %add3A_147 : i32
          %add3A_163 = arith.constant 1 : i32
          %add3A_164 = arith.addi %mul3A_162, %add3A_163 : i32
          %dma_start3A_165 = arith.constant 0 : i32
          %dma_start3A_166 = tpu.memref_slice %arg5[%add3A_164, %dma_start3A_165] : memref<50x128xi32, #tpu.memory_space<vmem>> -> memref<1x128xi32, #tpu.memory_space<vmem>>
          %dma_start3A_167 = tpu.memref_squeeze %dma_start3A_166 : memref<1x128xi32, #tpu.memory_space<vmem>> -> memref<128xi32, #tpu.memory_space<vmem>>
          %dma_start3A_168 = arith.constant 0 : i32
          %dma_start3A_169 = arith.constant 0 : i32
          %dma_start3A_170 = tpu.memref_slice %arg3[%dma_start3A_168, %dma_start3A_169] : memref<100000x128xf32, #tpu.memory_space<hbm>> -> memref<100000x128xf32, #tpu.memory_space<hbm>>
          tpu.enqueue_indirect_dma source(%dma_start3A_170 : memref<100000x128xf32, #tpu.memory_space<hbm>>) target(%arg7 : memref<128x128xf32, #tpu.memory_space<vmem>>) offsets(%dma_start3A_167 : memref<128xi32, #tpu.memory_space<vmem>>) semaphore(%arg12 : memref<!tpu.dma_semaphore, #tpu.memory_space<semaphore_mem>>)
        } else {
        }
      } else {
      }
      %mul3A_59 = arith.constant 2 : i32
      %mul3A_60 = arith.muli %mul3A_59, %scan3A_52 : i32
      %add3A_61 = arith.constant 1 : i32
      %add3A_62 = arith.addi %mul3A_60, %add3A_61 : i32
      %lt3A_63 = arith.constant 25 : i32
      %lt3A_64 = arith.cmpi slt, %add3A_62, %lt3A_63 : i32
      %convert_element_type3A_65 = arith.extui %lt3A_64 : i1 to i32
      %cond3A_66 = arith.constant 0 : i32
      %cond3A_67 = arith.cmpi ne, %convert_element_type3A_65, %cond3A_66 : i32
      scf.if %cond3A_67 {
        %mul3A_68 = arith.constant 2 : i32
        %mul3A_69 = arith.muli %mul3A_68, %add3A_62 : i32
        %ge3A = arith.constant 1 : i32
        %ge3A_70 = arith.cmpi sge, %add3A_62, %ge3A : i32
        %convert_element_type3A_71 = arith.extui %ge3A_70 : i1 to i32
        %cond3A_72 = arith.constant 0 : i32
        %cond3A_73 = arith.cmpi ne, %convert_element_type3A_71, %cond3A_72 : i32
        scf.if %cond3A_73 {
          %sub3A = arith.constant 1 : i32
          %sub3A_153 = arith.subi %add3A_62, %sub3A : i32
          %mul3A_154 = arith.constant 2 : i32
          %mul3A_155 = arith.muli %mul3A_154, %sub3A_153 : i32
          %mul3A_156 = arith.constant 128 : i32
          %mul3A_157 = arith.muli %mul3A_155, %mul3A_156 : i32
          %add3A_158 = arith.addi %mul3A_2, %mul3A_157 : i32
          %dma_wait3A_159 = arith.constant 0 : i32
          %dma_wait3A_160 = arith.constant 0 : i32
          %dma_wait3A_161 = tpu.memref_slice %arg4[%add3A_158, %dma_wait3A_160] : memref<204800x128xf32, #tpu.memory_space<hbm>> -> memref<128x128xf32, #tpu.memory_space<hbm>>
          %dma_wait3A_162 = arith.constant 0 : i32
          %dma_wait3A_163 = arith.constant 0 : i32
          %dma_wait3A_164 = tpu.memref_slice %arg10[%arg1, %dma_wait3A_159, %dma_wait3A_162, %dma_wait3A_163] : memref<16x2x128x128xf32, #tpu.memory_space<vmem_shared>> -> memref<1x1x128x128xf32, #tpu.memory_space<vmem_shared>>
          %dma_wait3A_165 = tpu.memref_squeeze %dma_wait3A_164 : memref<1x1x128x128xf32, #tpu.memory_space<vmem_shared>> -> memref<128x128xf32, #tpu.memory_space<vmem_shared>>
          tpu.wait_dma2 semaphore(%arg19 : memref<!tpu.dma_semaphore, #tpu.memory_space<semaphore_mem>>) src(%dma_wait3A_165 : memref<128x128xf32, #tpu.memory_space<vmem_shared>>) dst(%dma_wait3A_161 : memref<128x128xf32, #tpu.memory_space<hbm>>)
          %sub3A_166 = arith.constant 1 : i32
          %sub3A_167 = arith.subi %add3A_62, %sub3A_166 : i32
          %mul3A_168 = arith.constant 2 : i32
          %mul3A_169 = arith.muli %mul3A_168, %sub3A_167 : i32
          %add3A_170 = arith.constant 1 : i32
          %add3A_171 = arith.addi %mul3A_169, %add3A_170 : i32
          %mul3A_172 = arith.constant 128 : i32
          %mul3A_173 = arith.muli %add3A_171, %mul3A_172 : i32
          %add3A_174 = arith.addi %mul3A_2, %mul3A_173 : i32
          %dma_wait3A_175 = arith.constant 1 : i32
          %dma_wait3A_176 = arith.constant 0 : i32
          %dma_wait3A_177 = tpu.memref_slice %arg4[%add3A_174, %dma_wait3A_176] : memref<204800x128xf32, #tpu.memory_space<hbm>> -> memref<128x128xf32, #tpu.memory_space<hbm>>
          %dma_wait3A_178 = arith.constant 0 : i32
          %dma_wait3A_179 = arith.constant 0 : i32
          %dma_wait3A_180 = tpu.memref_slice %arg10[%arg1, %dma_wait3A_175, %dma_wait3A_178, %dma_wait3A_179] : memref<16x2x128x128xf32, #tpu.memory_space<vmem_shared>> -> memref<1x1x128x128xf32, #tpu.memory_space<vmem_shared>>
          %dma_wait3A_181 = tpu.memref_squeeze %dma_wait3A_180 : memref<1x1x128x128xf32, #tpu.memory_space<vmem_shared>> -> memref<128x128xf32, #tpu.memory_space<vmem_shared>>
          tpu.wait_dma2 semaphore(%arg20 : memref<!tpu.dma_semaphore, #tpu.memory_space<semaphore_mem>>) src(%dma_wait3A_181 : memref<128x128xf32, #tpu.memory_space<vmem_shared>>) dst(%dma_wait3A_177 : memref<128x128xf32, #tpu.memory_space<hbm>>)
        } else {
        }
        %dma_wait3A_74 = arith.constant 0 : i32
        %dma_wait3A_75 = tpu.memref_slice %arg5[%mul3A_69, %dma_wait3A_74] : memref<50x128xi32, #tpu.memory_space<vmem>> -> memref<1x128xi32, #tpu.memory_space<vmem>>
        %dma_wait3A_76 = tpu.memref_squeeze %dma_wait3A_75 : memref<1x128xi32, #tpu.memory_space<vmem>> -> memref<128xi32, #tpu.memory_space<vmem>>
        %dma_wait3A_77 = arith.constant 0 : i32
        %dma_wait3A_78 = arith.constant 0 : i32
        %dma_wait3A_79 = tpu.memref_slice %arg3[%dma_wait3A_77, %dma_wait3A_78] : memref<100000x128xf32, #tpu.memory_space<hbm>> -> memref<100000x128xf32, #tpu.memory_space<hbm>>
        tpu.wait_indirect_dma semaphore(%arg13 : memref<!tpu.dma_semaphore, #tpu.memory_space<semaphore_mem>>) src(%dma_wait3A_79 : memref<100000x128xf32, #tpu.memory_space<hbm>>) dst(%arg8 : memref<128x128xf32, #tpu.memory_space<vmem>>)
        %dma_start3A_80 = arith.constant 0 : i32
        %dma_start3A_81 = arith.constant 0 : i32
        %dma_start3A_82 = arith.constant 0 : i32
        %dma_start3A_83 = tpu.memref_slice %arg10[%arg1, %dma_start3A_80, %dma_start3A_81, %dma_start3A_82] : memref<16x2x128x128xf32, #tpu.memory_space<vmem_shared>> -> memref<1x1x128x128xf32, #tpu.memory_space<vmem_shared>>
        %dma_start3A_84 = tpu.memref_squeeze %dma_start3A_83 : memref<1x1x128x128xf32, #tpu.memory_space<vmem_shared>> -> memref<128x128xf32, #tpu.memory_space<vmem_shared>>
        %dma_start3A_85 = arith.constant 0 : i32
        %dma_start3A_86 = arith.constant 0 : i32
        %dma_start3A_87 = tpu.memref_slice %arg10[%arg1, %dma_start3A_80, %dma_start3A_85, %dma_start3A_86] : memref<16x2x128x128xf32, #tpu.memory_space<vmem_shared>> -> memref<1x1x128x128xf32, #tpu.memory_space<vmem_shared>>
        %dma_start3A_88 = tpu.memref_squeeze %dma_start3A_87 : memref<1x1x128x128xf32, #tpu.memory_space<vmem_shared>> -> memref<128x128xf32, #tpu.memory_space<vmem_shared>>
        tpu.enqueue_dma source(%arg8 : memref<128x128xf32, #tpu.memory_space<vmem>>) target(%dma_start3A_88 : memref<128x128xf32, #tpu.memory_space<vmem_shared>>) target_semaphore(%arg15 : memref<!tpu.dma_semaphore, #tpu.memory_space<semaphore_mem>>)
        %add3A_89 = arith.constant 1 : i32
        %add3A_90 = arith.addi %mul3A_69, %add3A_89 : i32
        %dma_wait3A_91 = arith.constant 0 : i32
        %dma_wait3A_92 = tpu.memref_slice %arg5[%add3A_90, %dma_wait3A_91] : memref<50x128xi32, #tpu.memory_space<vmem>> -> memref<1x128xi32, #tpu.memory_space<vmem>>
        %dma_wait3A_93 = tpu.memref_squeeze %dma_wait3A_92 : memref<1x128xi32, #tpu.memory_space<vmem>> -> memref<128xi32, #tpu.memory_space<vmem>>
        %dma_wait3A_94 = arith.constant 0 : i32
        %dma_wait3A_95 = arith.constant 0 : i32
        %dma_wait3A_96 = tpu.memref_slice %arg3[%dma_wait3A_94, %dma_wait3A_95] : memref<100000x128xf32, #tpu.memory_space<hbm>> -> memref<100000x128xf32, #tpu.memory_space<hbm>>
        tpu.wait_indirect_dma semaphore(%arg14 : memref<!tpu.dma_semaphore, #tpu.memory_space<semaphore_mem>>) src(%dma_wait3A_96 : memref<100000x128xf32, #tpu.memory_space<hbm>>) dst(%arg9 : memref<128x128xf32, #tpu.memory_space<vmem>>)
        %dma_start3A_97 = arith.constant 1 : i32
        %dma_start3A_98 = arith.constant 0 : i32
        %dma_start3A_99 = arith.constant 0 : i32
        %dma_start3A_100 = tpu.memref_slice %arg10[%arg1, %dma_start3A_97, %dma_start3A_98, %dma_start3A_99] : memref<16x2x128x128xf32, #tpu.memory_space<vmem_shared>> -> memref<1x1x128x128xf32, #tpu.memory_space<vmem_shared>>
        %dma_start3A_101 = tpu.memref_squeeze %dma_start3A_100 : memref<1x1x128x128xf32, #tpu.memory_space<vmem_shared>> -> memref<128x128xf32, #tpu.memory_space<vmem_shared>>
        %dma_start3A_102 = arith.constant 0 : i32
        %dma_start3A_103 = arith.constant 0 : i32
        %dma_start3A_104 = tpu.memref_slice %arg10[%arg1, %dma_start3A_97, %dma_start3A_102, %dma_start3A_103] : memref<16x2x128x128xf32, #tpu.memory_space<vmem_shared>> -> memref<1x1x128x128xf32, #tpu.memory_space<vmem_shared>>
        %dma_start3A_105 = tpu.memref_squeeze %dma_start3A_104 : memref<1x1x128x128xf32, #tpu.memory_space<vmem_shared>> -> memref<128x128xf32, #tpu.memory_space<vmem_shared>>
        tpu.enqueue_dma source(%arg9 : memref<128x128xf32, #tpu.memory_space<vmem>>) target(%dma_start3A_105 : memref<128x128xf32, #tpu.memory_space<vmem_shared>>) target_semaphore(%arg16 : memref<!tpu.dma_semaphore, #tpu.memory_space<semaphore_mem>>)
        %dma_wait3A_106 = arith.constant 0 : i32
        %dma_wait3A_107 = arith.constant 0 : i32
        %dma_wait3A_108 = arith.constant 0 : i32
        %dma_wait3A_109 = tpu.memref_slice %arg10[%arg1, %dma_wait3A_106, %dma_wait3A_107, %dma_wait3A_108] : memref<16x2x128x128xf32, #tpu.memory_space<vmem_shared>> -> memref<1x1x128x128xf32, #tpu.memory_space<vmem_shared>>
        %dma_wait3A_110 = tpu.memref_squeeze %dma_wait3A_109 : memref<1x1x128x128xf32, #tpu.memory_space<vmem_shared>> -> memref<128x128xf32, #tpu.memory_space<vmem_shared>>
        %dma_wait3A_111 = arith.constant 0 : i32
        %dma_wait3A_112 = arith.constant 0 : i32
        %dma_wait3A_113 = tpu.memref_slice %arg10[%arg1, %dma_wait3A_106, %dma_wait3A_111, %dma_wait3A_112] : memref<16x2x128x128xf32, #tpu.memory_space<vmem_shared>> -> memref<1x1x128x128xf32, #tpu.memory_space<vmem_shared>>
        %dma_wait3A_114 = tpu.memref_squeeze %dma_wait3A_113 : memref<1x1x128x128xf32, #tpu.memory_space<vmem_shared>> -> memref<128x128xf32, #tpu.memory_space<vmem_shared>>
        tpu.wait_dma2 semaphore(%arg15 : memref<!tpu.dma_semaphore, #tpu.memory_space<semaphore_mem>>) src(%arg8 : memref<128x128xf32, #tpu.memory_space<vmem>>) dst(%dma_wait3A_114 : memref<128x128xf32, #tpu.memory_space<vmem_shared>>)
        %mul3A_115 = arith.constant 128 : i32
        %mul3A_116 = arith.muli %mul3A_69, %mul3A_115 : i32
        %add3A_117 = arith.addi %mul3A_2, %mul3A_116 : i32
        %dma_start3A_118 = arith.constant 0 : i32
        %dma_start3A_119 = arith.constant 0 : i32
        %dma_start3A_120 = tpu.memref_slice %arg4[%add3A_117, %dma_start3A_119] : memref<204800x128xf32, #tpu.memory_space<hbm>> -> memref<128x128xf32, #tpu.memory_space<hbm>>
        %dma_start3A_121 = arith.constant 0 : i32
        %dma_start3A_122 = arith.constant 0 : i32
        %dma_start3A_123 = tpu.memref_slice %arg10[%arg1, %dma_start3A_118, %dma_start3A_121, %dma_start3A_122] : memref<16x2x128x128xf32, #tpu.memory_space<vmem_shared>> -> memref<1x1x128x128xf32, #tpu.memory_space<vmem_shared>>
        %dma_start3A_124 = tpu.memref_squeeze %dma_start3A_123 : memref<1x1x128x128xf32, #tpu.memory_space<vmem_shared>> -> memref<128x128xf32, #tpu.memory_space<vmem_shared>>
        tpu.enqueue_dma source(%dma_start3A_124 : memref<128x128xf32, #tpu.memory_space<vmem_shared>>) target(%dma_start3A_120 : memref<128x128xf32, #tpu.memory_space<hbm>>) target_semaphore(%arg19 : memref<!tpu.dma_semaphore, #tpu.memory_space<semaphore_mem>>)
        %dma_wait3A_125 = arith.constant 1 : i32
        %dma_wait3A_126 = arith.constant 0 : i32
        %dma_wait3A_127 = arith.constant 0 : i32
        %dma_wait3A_128 = tpu.memref_slice %arg10[%arg1, %dma_wait3A_125, %dma_wait3A_126, %dma_wait3A_127] : memref<16x2x128x128xf32, #tpu.memory_space<vmem_shared>> -> memref<1x1x128x128xf32, #tpu.memory_space<vmem_shared>>
        %dma_wait3A_129 = tpu.memref_squeeze %dma_wait3A_128 : memref<1x1x128x128xf32, #tpu.memory_space<vmem_shared>> -> memref<128x128xf32, #tpu.memory_space<vmem_shared>>
        %dma_wait3A_130 = arith.constant 0 : i32
        %dma_wait3A_131 = arith.constant 0 : i32
        %dma_wait3A_132 = tpu.memref_slice %arg10[%arg1, %dma_wait3A_125, %dma_wait3A_130, %dma_wait3A_131] : memref<16x2x128x128xf32, #tpu.memory_space<vmem_shared>> -> memref<1x1x128x128xf32, #tpu.memory_space<vmem_shared>>
        %dma_wait3A_133 = tpu.memref_squeeze %dma_wait3A_132 : memref<1x1x128x128xf32, #tpu.memory_space<vmem_shared>> -> memref<128x128xf32, #tpu.memory_space<vmem_shared>>
        tpu.wait_dma2 semaphore(%arg16 : memref<!tpu.dma_semaphore, #tpu.memory_space<semaphore_mem>>) src(%arg9 : memref<128x128xf32, #tpu.memory_space<vmem>>) dst(%dma_wait3A_133 : memref<128x128xf32, #tpu.memory_space<vmem_shared>>)
        %add3A_134 = arith.constant 1 : i32
        %add3A_135 = arith.addi %mul3A_69, %add3A_134 : i32
        %mul3A_136 = arith.constant 128 : i32
        %mul3A_137 = arith.muli %add3A_135, %mul3A_136 : i32
        %add3A_138 = arith.addi %mul3A_2, %mul3A_137 : i32
        %dma_start3A_139 = arith.constant 1 : i32
        %dma_start3A_140 = arith.constant 0 : i32
        %dma_start3A_141 = tpu.memref_slice %arg4[%add3A_138, %dma_start3A_140] : memref<204800x128xf32, #tpu.memory_space<hbm>> -> memref<128x128xf32, #tpu.memory_space<hbm>>
        %dma_start3A_142 = arith.constant 0 : i32
        %dma_start3A_143 = arith.constant 0 : i32
        %dma_start3A_144 = tpu.memref_slice %arg10[%arg1, %dma_start3A_139, %dma_start3A_142, %dma_start3A_143] : memref<16x2x128x128xf32, #tpu.memory_space<vmem_shared>> -> memref<1x1x128x128xf32, #tpu.memory_space<vmem_shared>>
        %dma_start3A_145 = tpu.memref_squeeze %dma_start3A_144 : memref<1x1x128x128xf32, #tpu.memory_space<vmem_shared>> -> memref<128x128xf32, #tpu.memory_space<vmem_shared>>
        tpu.enqueue_dma source(%dma_start3A_145 : memref<128x128xf32, #tpu.memory_space<vmem_shared>>) target(%dma_start3A_141 : memref<128x128xf32, #tpu.memory_space<hbm>>) target_semaphore(%arg20 : memref<!tpu.dma_semaphore, #tpu.memory_space<semaphore_mem>>)
        %add3A_146 = arith.constant 2 : i32
        %add3A_147 = arith.addi %add3A_62, %add3A_146 : i32
        %lt3A_148 = arith.constant 25 : i32
        %lt3A_149 = arith.cmpi slt, %add3A_147, %lt3A_148 : i32
        %convert_element_type3A_150 = arith.extui %lt3A_149 : i1 to i32
        %cond3A_151 = arith.constant 0 : i32
        %cond3A_152 = arith.cmpi ne, %convert_element_type3A_150, %cond3A_151 : i32
        scf.if %cond3A_152 {
          %mul3A_153 = arith.constant 2 : i32
          %mul3A_154 = arith.muli %mul3A_153, %add3A_147 : i32
          %dma_start3A_155 = arith.constant 0 : i32
          %dma_start3A_156 = tpu.memref_slice %arg5[%mul3A_154, %dma_start3A_155] : memref<50x128xi32, #tpu.memory_space<vmem>> -> memref<1x128xi32, #tpu.memory_space<vmem>>
          %dma_start3A_157 = tpu.memref_squeeze %dma_start3A_156 : memref<1x128xi32, #tpu.memory_space<vmem>> -> memref<128xi32, #tpu.memory_space<vmem>>
          %dma_start3A_158 = arith.constant 0 : i32
          %dma_start3A_159 = arith.constant 0 : i32
          %dma_start3A_160 = tpu.memref_slice %arg3[%dma_start3A_158, %dma_start3A_159] : memref<100000x128xf32, #tpu.memory_space<hbm>> -> memref<100000x128xf32, #tpu.memory_space<hbm>>
          tpu.enqueue_indirect_dma source(%dma_start3A_160 : memref<100000x128xf32, #tpu.memory_space<hbm>>) target(%arg8 : memref<128x128xf32, #tpu.memory_space<vmem>>) offsets(%dma_start3A_157 : memref<128xi32, #tpu.memory_space<vmem>>) semaphore(%arg13 : memref<!tpu.dma_semaphore, #tpu.memory_space<semaphore_mem>>)
          %mul3A_161 = arith.constant 2 : i32
          %mul3A_162 = arith.muli %mul3A_161, %add3A_147 : i32
          %add3A_163 = arith.constant 1 : i32
          %add3A_164 = arith.addi %mul3A_162, %add3A_163 : i32
          %dma_start3A_165 = arith.constant 0 : i32
          %dma_start3A_166 = tpu.memref_slice %arg5[%add3A_164, %dma_start3A_165] : memref<50x128xi32, #tpu.memory_space<vmem>> -> memref<1x128xi32, #tpu.memory_space<vmem>>
          %dma_start3A_167 = tpu.memref_squeeze %dma_start3A_166 : memref<1x128xi32, #tpu.memory_space<vmem>> -> memref<128xi32, #tpu.memory_space<vmem>>
          %dma_start3A_168 = arith.constant 0 : i32
          %dma_start3A_169 = arith.constant 0 : i32
          %dma_start3A_170 = tpu.memref_slice %arg3[%dma_start3A_168, %dma_start3A_169] : memref<100000x128xf32, #tpu.memory_space<hbm>> -> memref<100000x128xf32, #tpu.memory_space<hbm>>
          tpu.enqueue_indirect_dma source(%dma_start3A_170 : memref<100000x128xf32, #tpu.memory_space<hbm>>) target(%arg9 : memref<128x128xf32, #tpu.memory_space<vmem>>) offsets(%dma_start3A_167 : memref<128xi32, #tpu.memory_space<vmem>>) semaphore(%arg14 : memref<!tpu.dma_semaphore, #tpu.memory_space<semaphore_mem>>)
        } else {
        }
      } else {
      }
    }
    %scan3A_34 = arith.constant 13 : i32
    %add3A_35 = arith.constant 6144 : i32
    %add3A_36 = arith.addi %mul3A_2, %add3A_35 : i32
    %dma_wait3A = arith.constant 0 : i32
    %dma_wait3A_37 = arith.constant 0 : i32
    %dma_wait3A_38 = tpu.memref_slice %arg4[%add3A_36, %dma_wait3A_37] : memref<204800x128xf32, #tpu.memory_space<hbm>> -> memref<128x128xf32, #tpu.memory_space<hbm>>
    %dma_wait3A_39 = arith.constant 0 : i32
    %dma_wait3A_40 = arith.constant 0 : i32
    %dma_wait3A_41 = tpu.memref_slice %arg10[%arg1, %dma_wait3A, %dma_wait3A_39, %dma_wait3A_40] : memref<16x2x128x128xf32, #tpu.memory_space<vmem_shared>> -> memref<1x1x128x128xf32, #tpu.memory_space<vmem_shared>>
    %dma_wait3A_42 = tpu.memref_squeeze %dma_wait3A_41 : memref<1x1x128x128xf32, #tpu.memory_space<vmem_shared>> -> memref<128x128xf32, #tpu.memory_space<vmem_shared>>
    tpu.wait_dma2 semaphore(%arg19 : memref<!tpu.dma_semaphore, #tpu.memory_space<semaphore_mem>>) src(%dma_wait3A_42 : memref<128x128xf32, #tpu.memory_space<vmem_shared>>) dst(%dma_wait3A_38 : memref<128x128xf32, #tpu.memory_space<hbm>>)
    %add3A_43 = arith.constant 6272 : i32
    %add3A_44 = arith.addi %mul3A_2, %add3A_43 : i32
    %dma_wait3A_45 = arith.constant 1 : i32
    %dma_wait3A_46 = arith.constant 0 : i32
    %dma_wait3A_47 = tpu.memref_slice %arg4[%add3A_44, %dma_wait3A_46] : memref<204800x128xf32, #tpu.memory_space<hbm>> -> memref<128x128xf32, #tpu.memory_space<hbm>>
    %dma_wait3A_48 = arith.constant 0 : i32
    %dma_wait3A_49 = arith.constant 0 : i32
    %dma_wait3A_50 = tpu.memref_slice %arg10[%arg1, %dma_wait3A_45, %dma_wait3A_48, %dma_wait3A_49] : memref<16x2x128x128xf32, #tpu.memory_space<vmem_shared>> -> memref<1x1x128x128xf32, #tpu.memory_space<vmem_shared>>
    %dma_wait3A_51 = tpu.memref_squeeze %dma_wait3A_50 : memref<1x1x128x128xf32, #tpu.memory_space<vmem_shared>> -> memref<128x128xf32, #tpu.memory_space<vmem_shared>>
    tpu.wait_dma2 semaphore(%arg20 : memref<!tpu.dma_semaphore, #tpu.memory_space<semaphore_mem>>) src(%dma_wait3A_51 : memref<128x128xf32, #tpu.memory_space<vmem_shared>>) dst(%dma_wait3A_47 : memref<128x128xf32, #tpu.memory_space<hbm>>)
    return
  }
}

</mosaic_0001>

<sc_bundles>
// kernel: _gather_rows.3.cloned.1.call-start
scs
__scs_entry_jumppad:
0x0: {  	(pc) =	sbr.rel $0x88, $3  }
0x1: {  	(tag) =	ssettag $0x0;
	lr =	simm.s32 $0x1  }
0x2: {  	[smem:$0x3F9F] =	sst lr;
	_ =	strace $0xD0000000  }
0x3: {  	_ = 	snop  }
0x4: {  	_ = 	snop  }
0x5: {  	_ = 	snop  }
0x6: {  	_ = 	snop  }
0x7: {  	_ = 	snop  }
__scs_overlays_trampoline_lowered:
0x8: {  	[smem:$0x3FAE] =	sst s0  }
0x9: {  	[smem:$0x3FAF] =	sst s1  }
0xa: {  	[smem:$0x3FB0] =	sst s2  }
0xb: {  	[smem:$0x3FB1] =	sst s3  }
0xc: {  	[smem:$0x3FB2] =	sst s4  }
0xd: {  	[smem:$0x3FB3] =	sst s5  }
0xe: {  	[smem:$0x3FB4] =	sst s6  }
0xf: {  	[smem:$0x3FB5] =	sst s7  }
0x10: {  	[smem:$0x3FB6] =	sst s8  }
0x11: {  	[smem:$0x3FB7] =	sst s9;
	s0 =	simm.s32 @!p0 $0x0  }
0x12: {  	s1 =	sld [smem:$0x3F9D];
	s0 =	simm.s32 @p0 $0x1  }
0x13: {  	[smem:$0x3FB8] =	sst s0;
	s0 =	simm.s32 @!p1 $0x0  }
0x14: {  	s2 =	sld [smem:$0x3F9C];
	s0 =	simm.s32 @p1 $0x1  }
0x15: {  	[smem:$0x3FB9] =	sst s0;
	s0 =	simm.s32 @!p2 $0x0  }
0x16: {  	s3 =	sld [smem:$0x3FDB];
	s0 =	simm.s32 @p2 $0x1  }
0x17: {  	s4 =	simm.s32 $0x1BF5;
	[smem:$0x3FBB] =	sst s0  }
0x18: {  	s0 =	sld [smem:$0x3F9E];
	_ =	swait.ge [sflag:s4], $0x0  }
0x19: {  	s7 =	sld [smem:$0x3F9F]  }
0x1a: {  	s8 =	sadd.s32 $0xFFFFE003, lr  }
0x1b: {  	s9 =	sadd.s32 $0xFFFFFEF7, lr;
	s5 =	simm.s32 $0xFFFFFFFF;
	p2 =	slt.u32 s8, $0xFFFFF086  }
0x1c: {  	p1 =	slt.u32 s9, $0xF7A;
	s5 =	simm.s32 @!p2 $0x0  }
0x1d: {  	s5 =	simm.s32 @p1 $0x1;
	p0 =	seq.s32 s7, s2  }
0x1e: {  	s7 =	smul.u32 @!p0 $0xF7A, s2;
	p2 =	seq.s32 @!p0 s5, $0x0  }
0x1f: {  	s9 =	smul.u32 $0xF7A, s1;
	s8 =	simm.s32 @!p0 $0x1BF5;
	p2 =	por !p2, p0  }
0x20: {  	[sflag:s8] =	ssyncset.s32 @!p0 $0xFFFFF086;
	s6 =	sadd.s32 @!p0 s3, s7;
	s7 =	simm.s32 @!p0 $0x108  }
0x21: {  	s3 =	sadd.s32 s3, s9;
	s6 =	sadd.s32 @!p0 $0x88, s6;
	s7 =	simm.s32 @p2 $0x1082  }
0x22: {  	[simem:s7], [sflag:s8] =	dma.local @!p0 [hbm:s6], $0xF7A  }
0x23: {  	s9 =	sor.u32 $0xD0000000, s2;
	s6 =	simm.s32 $0x108;
	_ =	swait.ge @!p0 [sflag:s8], $0x0  }
0x24: {  	s3 =	sadd.s32 $0x88, s3;
	s6 =	simm.s32 @!p1 $0x1082;
	[sflag:s4] =	ssyncset.s32 $0xFFFFF086  }
0x25: {  	[simem:s6], [sflag:s4] =	dma.local [hbm:s3], $0xF7A  }
0x26: {  	[smem:$0x3F9F] =	sst s1;
	(tag) =	ssettag s2;
	_ =	strace s9  }
0x27: {  	s1 =	sld [smem:$0x3FAF]  }
0x28: {  	s2 =	sld [smem:$0x3FB0]  }
0x29: {  	s4 =	sld [smem:$0x3FB2]  }
0x2a: {  	p0 =	seq.s32 s5, $0x0;
	s5 =	sld [smem:$0x3FB3]  }
0x2b: {  	s6 =	sld [smem:$0x3FB4]  }
0x2c: {  	s7 =	sld [smem:$0x3FB5]  }
0x2d: {  	s3 =	simm.s32 $0x108;
	s8 =	sld [smem:$0x3FB6]  }
0x2e: {  	s3 =	simm.s32 @!p0 $0x1082;
	s9 =	sld [smem:$0x3FB7]  }
0x2f: {  	lr =	sadd.s32 s0, s3;
	s0 =	sld [smem:$0x3FAE]  }
0x30: {  	s3 =	sld [smem:$0x3FB1]  }
0x31: {  	[smem:$0x3FBA] =	sst s10  }
0x32: {  	s10 =	sld [smem:$0x3FB8];
	_ =	sdelay $0x3  }
0x33: {  	p0 =	seq.s32 s10, $0x1;
	s10 =	sld [smem:$0x3FBA];
	_ =	sdelay $0x3  }
0x34: {  	[smem:$0x3FBA] =	sst s10  }
0x35: {  	s10 =	sld [smem:$0x3FB9];
	_ =	sdelay $0x3  }
0x36: {  	p1 =	seq.s32 s10, $0x1;
	s10 =	sld [smem:$0x3FBA];
	_ =	sdelay $0x3  }
0x37: {  	[smem:$0x3FBA] =	sst s10  }
0x38: {  	s10 =	sld [smem:$0x3FBB]  }
0x39: {  	_ = 	snop;
	(pc) =	sbr.ind lr, $3  }
0x3a: {  	_ = 	snop  }
0x3b: {  	_ = 	snop  }
0x3c: {  	p2 =	seq.s32 s10, $0x1;
	s10 =	sld [smem:$0x3FBA]  }
0x3d: {  	_ =	shalt  }
0x3e: {  	_ =	shalt  }
0x3f: {  	_ =	shalt  }
0x40: {  	_ =	shalt  }
0x41: {  	_ =	shalt  }
0x42: {  	_ =	shalt  }
0x43: {  	_ =	shalt  }
0x44: {  	_ =	shalt  }
0x45: {  	_ =	shalt  }
0x46: {  	_ =	shalt  }
0x47: {  	_ =	shalt  }
0x48: {  	_ =	shalt  }
0x49: {  	_ =	shalt  }
0x4a: {  	_ =	shalt  }
0x4b: {  	_ =	shalt  }
0x4c: {  	_ =	shalt  }
0x4d: {  	_ =	shalt  }
0x4e: {  	_ =	shalt  }
0x4f: {  	_ =	shalt  }
0x50: {  	_ =	shalt  }
0x51: {  	_ =	shalt  }
0x52: {  	_ =	shalt  }
0x53: {  	_ =	shalt  }
0x54: {  	_ =	shalt  }
0x55: {  	_ =	shalt  }
0x56: {  	_ =	shalt  }
0x57: {  	_ =	shalt  }
0x58: {  	_ =	shalt  }
0x59: {  	_ =	shalt  }
0x5a: {  	_ =	shalt  }
0x5b: {  	_ =	shalt  }
0x5c: {  	_ =	shalt  }
0x5d: {  	_ =	shalt  }
0x5e: {  	_ =	shalt  }
0x5f: {  	_ =	shalt  }
0x60: {  	_ =	shalt  }
0x61: {  	_ =	shalt  }
0x62: {  	_ =	shalt  }
0x63: {  	_ =	shalt  }
0x64: {  	_ =	shalt  }
0x65: {  	_ =	shalt  }
0x66: {  	_ =	shalt  }
0x67: {  	_ =	shalt  }
0x68: {  	_ =	shalt  }
0x69: {  	_ =	shalt  }
0x6a: {  	_ =	shalt  }
0x6b: {  	_ =	shalt  }
0x6c: {  	_ =	shalt  }
0x6d: {  	_ =	shalt  }
0x6e: {  	_ =	shalt  }
0x6f: {  	_ =	shalt  }
0x70: {  	_ =	shalt  }
0x71: {  	_ =	shalt  }
0x72: {  	_ =	shalt  }
0x73: {  	_ =	shalt  }
0x74: {  	_ =	shalt  }
0x75: {  	_ =	shalt  }
0x76: {  	_ =	shalt  }
0x77: {  	_ =	shalt  }
0x78: {  	_ =	shalt  }
0x79: {  	_ =	shalt  }
0x7a: {  	_ =	shalt  }
0x7b: {  	_ =	shalt  }
0x7c: {  	_ =	shalt  }
0x7d: {  	_ =	shalt  }
0x7e: {  	_ =	shalt  }
0x7f: {  	_ =	shalt  }
0x80: {  	_ =	shalt  }
0x81: {  	_ =	shalt  }
0x82: {  	_ =	shalt  }
0x83: {  	_ =	shalt  }
0x84: {  	_ =	shalt  }
0x85: {  	_ =	shalt  }
0x86: {  	_ =	shalt  }
0x87: {  	_ =	shalt  }
.Lfunc_end0:
.L_simem_size_0:
called_computation_lowered:
.L_overlay_start_0:
0x88: {  	s2 =	sld [smem:$0x3FD9]  }
0x89: {  	s3 =	sld [smem:$0x3FFE];
	_ =	sdelay $0x1  }
0x8a: {  	s1 =	srdreg.scid  }
0x8b: {  	s0 =	sand.u32 $0x1, s1  }
0x8c: {  	s17 =	sshll.u32 s0, $0xA;
	s2 =	sadd.s32 s3, s2  }
0x8d: {  	s2 =	sadd.s32 s2, s17  }
0x8e: {  	[smem:$0x3FC6] =	sst s2  }
0x8f: {  	_ = 	snop  }
0x90: {  	s2 =	sld [smem:$0x3FC8]  }
0x91: {  	s18 =	sld [smem:$0x3FD0];
	(tm) =	ssettm $0x1  }
0x92: {  	s4 =	sld [smem:$0x3FFB];
	_ =	sdelay $0x3  }
0x93: {  	_ =	strace s4  }
0x94: {  	s4 =	sld [smem:$0x3FFC];
	_ =	sdelay $0x3  }
0x95: {  	_ =	strace s4  }
0x96: {  	s4 =	sld [smem:$0x3FFD];
	_ =	sdelay $0x3  }
0x97: {  	_ =	strace s4  }
0x98: {  	_ =	strace $0x8FFFFFFF  }
0x99: {  	s19 =	sld [smem:$0x3FDB];
	_ =	sdelay $0x1  }
0x9a: {  	s5 =	simm.s32 $_scs_section_size  }
0x9b: {  	s6 =	simm.s32 $_size__tile_overlayer_lowered;
	s7 =	simm.s32 $_tile_overlayer_lowered  }
0x9c: {  	s22 =	simm.s32 $0x1BFF;
	s21 =	sshll.u32 s7, $0x1;
	s4 =	sadd.s32 s5, s19  }
0x9d: {  	s8 =	simm.s32 $0x0;
	s20 =	sshll.u32 s6, $0x1;
	s6 =	sadd.s32 s21, s4  }
0x9e: {  	[timem:s8], [sflag:s22] =	dma.local [hbm:s6], s20  }
0x9f: {  	_ =	swait.ge [sflag:s22], s20  }
0xa0: {  	s5 =	ssub.s32 $0x0, s20;
	[sflag:s22] =	ssyncset.done $0x0  }
0xa1: {  	[sflag:s22] =	ssyncadd.s32 s5;
	_ =	sdelay $0x1  }
0xa2: {  	s23 =	simm.s32 $0x1B8B  }
0xa3: {  	_ =	swait.ge [sflag:s23], $0x1  }
0xa4: {  	[sflag:s23] =	ssyncset.done $0x0  }
0xa5: {  	s25 =	simm.s32 $0x1B8E;
	s24 =	sld [smem:$0x3FFE];
	[sflag:s23] =	ssyncadd.s32 $0xFFFFFFFF  }
0xa6: {  	s26 =	simm.s32 $execute0_lowered;
	[smem:$0x3FD2] =	sst s25  }
0xa7: {  	s6 =	sshll.u32 s26, $0x1;
	_ =	strace $0x80000046;
	[dreg:$0x1] =	wrdreg $0xFFFFFFFF  }
0xa8: {  	s28 =	simm.s32 $_size_execute0_lowered;
	s4 =	sadd.s32 s4, s6;
	[dreg:$0x0] =	wrdreg $0x0  }
0xa9: {  	s6 =	sshll.u32 s28, $0x1;
	[dreg:$0x2] =	wrdreg s4  }
0xaa: {  	[dreg:$0x3] =	wrdreg s6  }
0xab: {  	[dreg:$0x4] =	wrdreg $0xC0  }
0xac: {  	_ =	task [dreg:s8], $0x5FFFF  }
0xad: {  	[dreg:$0x1] =	wrdreg $0xFFFFFFFF  }
0xae: {  	[dreg:$0x0] =	wrdreg $0x60  }
0xaf: {  	[dreg:$0x2] =	wrdreg s24  }
0xb0: {  	[dreg:$0x3] =	wrdreg s2  }
0xb1: {  	[dreg:$0x4] =	wrdreg s18  }
0xb2: {  	[dreg:$0x5] =	wrdreg $0x11C000  }
0xb3: {  	[dreg:$0x6] =	wrdreg $0x9  }
0xb4: {  	_ =	task.clear_ibuf [dreg:s8], $0x7FFFF;
	_ =	strace $0x90000046  }
0xb5: {  	s29 =	simm.s32 $0x9;
	_ =	strace $0x80000048  }
0xb6: {  	_ =	swait.ge [sflag:s29], $0x1  }
0xb7: {  	[sflag:s29] =	ssyncadd.s32 $0xFFFFFFFF  }
0xb8: {  	_ =	strace $0x90000048  }
0xb9: {  	_ =	sfence  }
0xba: {  	s30 =	sld [smem:$0x0];
	_ =	sdelay $0x2  }
0xbb: {  	s31 =	sshll.u32 s1, $0xD;
	s1 =	sshrl.u32 s1, $0x2  }
0xbc: {  	s3 =	sand.u32 $0x4000, s31;
	s1 =	sadd.s32 s1, s30  }
0xbd: {  	s0 =	sor.u32 s3, s0;
	s1 =	sshll.u32 s1, $0x11  }
0xbe: {  	s0 =	sor.u32 s1, s0  }
0xbf: {  	s0 =	sadd.s32 $0x8F2B, s0  }
0xc0: {  	[sflag:s0] =	ssyncadd.remote.s32 $0x1  }
0xc1: {  	_ =	sfence.sel $0xFFFF  }
0xc2: {  	[dreg:$0x0] =	wrdreg $0xFFFFFFFF;
	(pc) =	sbr.abs _section_cstart, $3  }
0xc3: {  	[dreg:$0x1] =	wrdreg $0xFFFFFFFF  }
0xc4: {  	_ =	task.clear_ibuf [dreg:s8], $0x2FFFF;
	_ =	strace $0x9FFFFFFF  }
0xc5: {  	(tm) =	ssettm $0x7FFFFFFF  }
tec
execute0_lowered:
.L_overlay_start_1:
0x0: {  	(tag) =	ssettag $0x1  }
0x1: {  	s0 =	rddreg [dreg:$0x0]  }
0x2: {  	s1 =	rddreg [dreg:$0x1];
	s2 =	srdreg.scid  }
0x3: {  	s16 =	stileid.u32;
	s3 =	rddreg [dreg:$0x3];
	s4 =	simm.s32 $0x0  }
0x4: {  	s12 =	simm.s32 $0x9;
	s13 =	simm.s32 $0x80;
	s14 =	simm.s32 $0x1C00  }
0x5: {  	s15 =	simm.s32 $0x5C00;
	s20 =	simm.s32 $0x1;
	s21 =	simm.s32 $0x2  }
0x6: {  	s22 =	simm.s32 $0x5;
	s28 =	simm.s32 $0x7;
	s29 =	simm.s32 $0x8  }
0x7: {  	s30 =	simm.s32 $0x0;
	s2 =	sand.u32 $0x1, s2;
	s9 =	smul.u32 $0x32000, s16  }
0x8: {  	s5 =	sshll.u32 s16, $0x1;
	[smem:$0x7FF] =	sst s4;
	s8 =	smul.u32 $0x190000, s16  }
0x9: {  	s7 =	sshll.u32 s16, $0xF;
	s31 =	sshll.u32 s16, $0x6;
	s10 =	smul.u32 $0xC8000, s2  }
0xa: {  	s5 =	sor.u32 s2, s5;
	s24 =	ssub.s32 $0x2, s2;
	s2 =	smul.u32 $0x19000, s2  }
0xb: {  	_ =	strace $0x80000047;
	s5 =	smul.u32 $0x380, s5;
	s6 =	sshrl.u32 s24, $0x1  }
0xc: {  	s23 =	sor.u32 $0x1C07, s31;
	s11 =	ssub.s32 s24, s6;
	s25 =	sadd.s32 s10, s8  }
0xd: {  	s9 =	sadd.s32 s2, s9;
	s0 =	sadd.s32 s5, s0;
	s5 =	sadd.s32 s7, s3  }
0xe: {  	s8 =	smax.u32 s11, $0x1;
	s26 =	sadd.s32 $0x8000, s25;
	s10 =	sshrl.u32 s25, $0x3  }
0xf: {  	s25 =	sor.u32 $0x1C08, s31;
	s6 =	sadd.s32 $0x400, s0;
	s7 =	sadd.s32 $0x4000, s5  }
0x10: {  	s11 =	sshrl.u32 s26, $0x3;
	s24 =	sshrl.u32 s5, $0x3;
	s26 =	simm.s32 $0x6  }
.LBB2_1:
0x11: {  	[tilespmem:s4], [sflag:$0x9] =	stream.linear.gather [hbm4b:s6+s4], $0x1900, $0x38;
	[tilespmem:$0x19C00] =	vst v63  }
0x12: {  	_ =	swait.ge [sflag:s12], $0x1900  }
0x13: {  	[sflag:s12] =	ssyncset.done $0x0  }
0x14: {  	[sflag:s12] =	ssyncadd.s32 $0xFFFFE700  }
0x15: {  	[tilespmem:s14], [sflag:$0x1] =	stream.indirect.gather [hbm4b:s1+s13], $0x80, s4, s13, $0xb8;
	[tilespmem:$0x19C00] =	vst v63  }
0x16: {  	s0 =	simm.s32 $0x100;
	s2 =	simm.s32 $0x9C00  }
0x17: {  	[tilespmem:s15], [sflag:$0x2] =	stream.indirect.gather [hbm4b:s1+s13], $0x80, s13, s13, $0xb8;
	[tilespmem:$0x19C00] =	vst v63  }
0x18: {  	s18 =	simm.s32 $0x180;
	s19 =	simm.s32 $0xDC00;
	s31 =	simm.s32 $0x1  }
0x19: {  	[tilespmem:s2], [sflag:$0x3] =	stream.indirect.gather [hbm4b:s1+s13], $0x80, s0, s13, $0xb8;
	[tilespmem:$0x19C00] =	vst v63  }
0x1a: {  	s3 =	rddreg [dreg:$0x2];
	s0 =	simm.s32 $0x0;
	s2 =	simm.s32 $0x0  }
0x1b: {  	[tilespmem:s19], [sflag:$0x4] =	stream.indirect.gather [hbm4b:s1+s13], $0x80, s18, s13, $0xb8;
	[tilespmem:$0x19C00] =	vst v63  }
.LBB2_2:
0x1c: {  	p0 =	seq.s32 s0, $0x0  }
0x1d: {  	s16 =	simm.s32 @!p0 $0x7  }
0x1e: {  	_ =	swait.ge @!p0 [sflag:s16], $0x800  }
0x1f: {  	[sflag:s16] =	ssyncset.done @!p0 $0x0  }
0x20: {  	[sflag:s16] =	ssyncadd.s32 @!p0 $0xFFFFF800;
	s16 =	simm.s32 @!p0 $0x8  }
0x21: {  	_ =	swait.ge @!p0 [sflag:s16], $0x800  }
0x22: {  	[sflag:s16] =	ssyncset.done @!p0 $0x0  }
0x23: {  	[sflag:s16] =	ssyncadd.s32 @!p0 $0xFFFFF800  }
0x24: {  	_ =	swait.ge [sflag:s20], $0x4000  }
0x25: {  	[sflag:s20] =	ssyncset.done $0x0  }
0x26: {  	[sflag:s20] =	ssyncadd.s32 $0xFFFFC000  }
0x27: {  	[spmem:s5] =	stream.linear.scatter [tilespmem:s14], [sflag:$0x5], $0x4000, $0x38;
	[tilespmem:$0x19C00] =	vst v63  }
0x28: {  	_ =	swait.ge [sflag:s21], $0x4000  }
0x29: {  	[sflag:s21] =	ssyncset.done $0x0  }
0x2a: {  	[sflag:s21] =	ssyncadd.s32 $0xFFFFC000  }
0x2b: {  	[spmem:s7] =	stream.linear.scatter [tilespmem:s15], [sflag:$0x6], $0x4000, $0x38;
	[tilespmem:$0x19C00] =	vst v63  }
0x2c: {  	_ =	swait.ge [sflag:s22], $0x4000  }
0x2d: {  	[sflag:s22] =	ssyncset.done $0x0  }
0x2e: {  	s18 =	sadd.s32 s3, s10;
	[sflag:s22] =	ssyncadd.s32 $0xFFFFC000  }
0x2f: {  	[hbm:s18], [sflag:s23] =	dma.local [spmem:s24], $0x800  }
0x30: {  	_ =	swait.ge [sflag:s26], $0x4000  }
0x31: {  	s19 =	sadd.s32 s3, s9;
	s17 =	sshrl.u32 s7, $0x3;
	[sflag:s26] =	ssyncset.done $0x0  }
0x32: {  	s16 =	sadd.s32 $0x800, s19;
	p0 =	seq.s32 s0, $0x6000;
	[sflag:s26] =	ssyncadd.s32 $0xFFFFC000  }
0x33: {  	[hbm:s16], [sflag:s25] =	dma.local [spmem:s17], $0x800  }
0x34: {  	s19 =	simm.s32 @!p0 $0x1C00;
	s16 =	sshra.s32 @!p0 s0, $0x2  }
0x35: {  	p1 =	sgt.u32 @!p0 s31, $0x18;
	s18 =	simm.s32 @!p0 $0x80;
	s17 =	sadd.s32 @!p0 $0x200, s16  }
0x36: {  	[tilespmem:s19], [sflag:$0x1] =	stream.indirect.gather @!p0 [hbm4b:s1+s18], $0x80, s17, s18, $0xb8;
	[tilespmem:$0x19C00] =	vst v63  }
0x37: {  	p2 =	por p1, p0;
	s16 =	sadd.s32 @!p0 $0x280, s16;
	s17 =	simm.s32 @!p0 $0x5C00  }
0x38: {  	[tilespmem:s17], [sflag:$0x2] =	stream.indirect.gather @!p0 [hbm4b:s1+s18], $0x80, s16, s18, $0xb8;
	[tilespmem:$0x19C00] =	vst v63  }
0x39: {  	s16 =	simm.s32 @!p2 $0x7  }
0x3a: {  	_ =	swait.ge @!p2 [sflag:s16], $0x800  }
0x3b: {  	[sflag:s16] =	ssyncset.done @!p2 $0x0  }
0x3c: {  	[sflag:s16] =	ssyncadd.s32 @!p2 $0xFFFFF800;
	s16 =	simm.s32 @!p2 $0x8  }
0x3d: {  	_ =	swait.ge @!p2 [sflag:s16], $0x800  }
0x3e: {  	[sflag:s16] =	ssyncset.done @!p2 $0x0  }
0x3f: {  	[sflag:s16] =	ssyncadd.s32 @!p2 $0xFFFFF800;
	s16 =	simm.s32 @!p2 $0x3  }
0x40: {  	_ =	swait.ge @!p2 [sflag:s16], $0x4000  }
0x41: {  	[sflag:s16] =	ssyncset.done @!p2 $0x0  }
0x42: {  	[sflag:s16] =	ssyncadd.s32 @!p2 $0xFFFFC000;
	s16 =	simm.s32 @!p2 $0x9C00  }
0x43: {  	[spmem:s5] =	stream.linear.scatter @!p2 [tilespmem:s16], [sflag:$0x5], $0x4000, $0x38;
	[tilespmem:$0x19C00] =	vst v63  }
0x44: {  	s16 =	simm.s32 @!p2 $0x4  }
0x45: {  	_ =	swait.ge @!p2 [sflag:s16], $0x4000  }
0x46: {  	[sflag:s16] =	ssyncset.done @!p2 $0x0  }
0x47: {  	[sflag:s16] =	ssyncadd.s32 @!p2 $0xFFFFC000;
	s16 =	simm.s32 @!p2 $0xDC00  }
0x48: {  	[spmem:s7] =	stream.linear.scatter @!p2 [tilespmem:s16], [sflag:$0x6], $0x4000, $0x38;
	[tilespmem:$0x19C00] =	vst v63  }
0x49: {  	s16 =	simm.s32 @!p2 $0x5  }
0x4a: {  	_ =	swait.ge @!p2 [sflag:s16], $0x4000  }
0x4b: {  	[sflag:s16] =	ssyncset.done @!p2 $0x0  }
0x4c: {  	s17 =	sshrl.u32 @!p2 s5, $0x3;
	[sflag:s16] =	ssyncadd.s32 @!p2 $0xFFFFC000;
	s16 =	sadd.s32 @!p2 s3, s11  }
0x4d: {  	[hbm:s16], [sflag:s23] =	dma.local @!p2 [spmem:s17], $0x800  }
0x4e: {  	s16 =	simm.s32 @!p2 $0x6  }
0x4f: {  	_ =	swait.ge @!p2 [sflag:s16], $0x4000  }
0x50: {  	s17 =	sadd.s32 @!p2 s3, s9;
	[sflag:s16] =	ssyncset.done @!p2 $0x0  }
0x51: {  	[sflag:s16] =	ssyncadd.s32 @!p2 $0xFFFFC000;
	s16 =	sadd.s32 @!p2 $0x1800, s17;
	s17 =	sshrl.u32 @!p2 s7, $0x3  }
0x52: {  	[hbm:s16], [sflag:s25] =	dma.local @!p2 [spmem:s17], $0x800  }
0x53: {  	p2 =	sgt.u32 @!p2 s2, $0xA  }
0x54: {  	p1 =	por @!p0 p2, p1  }
0x55: {  	p1 =	por p1, p0  }
0x56: {  	s16 =	sshra.s32 @!p1 s0, $0x2  }
0x57: {  	s18 =	simm.s32 @!p1 $0x80;
	s19 =	simm.s32 @!p1 $0x9C00;
	s17 =	sadd.s32 @!p1 $0x300, s16  }
0x58: {  	[tilespmem:s19], [sflag:$0x3] =	stream.indirect.gather @!p1 [hbm4b:s1+s18], $0x80, s17, s18, $0xb8;
	[tilespmem:$0x19C00] =	vst v63  }
0x59: {  	s0 =	sadd.s32 @!p0 $0x800, s0;
	s16 =	sadd.s32 @!p1 $0x380, s16;
	s17 =	simm.s32 @!p1 $0xDC00  }
0x5a: {  	[tilespmem:s17], [sflag:$0x4] =	stream.indirect.gather @!p1 [hbm4b:s1+s18], $0x80, s16, s18, $0xb8;
	[tilespmem:$0x19C00] =	vst v63  }
0x5b: {  	p1 =	sne.s32 @!p0 s0, $0x6800  }
0x5c: {  	p1 =	por p0, !p1  }
.Ltmp0:
0x5d: {  	_ = 	snop;
	(pc) =	sbr.rel @!p1 .LBB2_2-.Ltmp0, $2  }
0x5e: {  	_ =	sdelay $0x2  }
0x5f: {  	s31 =	sadd.s32 @!p0 $0x2, s31;
	s3 =	sadd.s32 @!p0 $0x2000, s3;
	s2 =	sadd.s32 @!p0 $0x1, s2  }
0x60: {  	s30 =	sadd.s32 $0x1, s30  }
0x61: {  	_ =	swait.ge [sflag:s28], $0x800;
	p0 =	sne.s32 s30, s8  }
.Ltmp1:
0x62: {  	[sflag:s28] =	ssyncset.done $0x0;
	(pc) =	sbr.rel @p0 .LBB2_1-.Ltmp1, $4  }
0x63: {  	[sflag:s28] =	ssyncadd.s32 $0xFFFFF800  }
0x64: {  	_ =	swait.ge [sflag:s29], $0x800  }
0x65: {  	[sflag:s29] =	ssyncset.done $0x0  }
0x66: {  	[sflag:s29] =	ssyncadd.s32 $0xFFFFF800  }
0x67: {  	_ =	sfence.sel $0x180000  }
0x68: {  	[bflag:$0x0] =	sbarrier.arrive $0xFFFF  }
0x69: {  	_ =	strace $0x90000047  }
0x6a: {  	s0 =	stileid.u32;
	[bflag:$0x2] =	sbarrier.arrive $0xFFFF  }
0x6b: {  	p0 =	sne.s32 s0, $0x0;
	s0 =	rddreg [dreg:$0x4]  }
0x6c: {  	s0 =	sadd.s32 @!p0 $0x100000, s0  }
0x6d: {  	[sflag:s0] =	ssyncadd.tile.s32 @!p0 $0x1;
	_ =	shalt  }
.Lfunc_end2:
_tile_overlayer_lowered:
.L_overlay_start_2:
0x6e: {  	(tag) =	ssettag $0x2  }
0x6f: {  	s0 =	rddreg [dreg:$0x0];
	s2 =	stileid.u32  }
0x70: {  	s1 =	rddreg [dreg:$0x1];
	p0 =	sne.s32 s2, $0x0  }
0x71: {  	s3 =	rddreg [dreg:$0x2];
	[bflag:$0x3] =	sbarrier.arrive $0xFFFF;
	s2 =	simm.s32 @!p0 $0x1C09  }
0x72: {  	[timem:s3], [sflag:s2] =	dma.local @!p0 [hbm:s0], s1  }
0x73: {  	s0 =	simm.s32 @!p0 $0x9  }
0x74: {  	_ =	swait.ge @!p0 [sflag:s0], s1  }
0x75: {  	s1 =	ssub.s32 @!p0 $0x0, s1;
	[sflag:s0] =	ssyncset.done @!p0 $0x0  }
0x76: {  	[sflag:s0] =	ssyncadd.s32 @!p0 s1  }
0x77: {  	[bflag:$0x3] =	sbarrier.arrive $0xFFFF  }
0x78: {  	_ =	shalt  }

</sc_bundles>
